<compile_context>
chip_gen: v7x
topology: tpu7x:2x2x1
jax: 0.10.2.dev20260603
libtpu: 0.0.44.dev20260713+nightly
codegen_flags: <defaults>
</compile_context>

<pallas_src>
import functools

import jax
import jax.numpy as jnp
from jax import lax
from jax.experimental import pallas as pl
from jax.experimental.pallas import tpu as pltpu
from jax.experimental.pallas import tpu_sc as plsc

NUM_DST = 10000
NUM_EDGES = 320000
DIM_TIME = 128
DIM_OUT = 128
NUM_HEAD = 8
D_HEAD = DIM_OUT // NUM_HEAD
EPS = 1e-5
MAXNORM = 1.0 - 1e-3
BLK = 1024
PACK = 144
CHUNK = 256
CHUNK_B = 128
NWORK = 32
NCHUNK = NUM_EDGES // CHUNK
ITERS = (NCHUNK + NWORK - 1) // NWORK
NCHUNK_B = NUM_EDGES // CHUNK_B
ITERS_B = (NCHUNK_B + NWORK - 1) // NWORK
DPAD = 10240


def _artanh(x):
    x = jnp.clip(x, -1.0 + 1e-7, 1.0 - 1e-7)
    return 0.5 * jnp.log((1.0 + x) / (1.0 - x))


def _node_body(t_ref, wT_ref, tb_ref, W_ref, b_ref, attn_ref, S_ref, o_ref):
    t = t_ref[...]
    x = jnp.cos(t * wT_ref[...] + tb_ref[...])
    n2 = jnp.sum(x * x, axis=-1, keepdims=True)
    n = jnp.sqrt(jnp.maximum(n2, 1e-15))
    x = jnp.where(n > MAXNORM, x / n * MAXNORM, x)
    xn2 = jnp.sum(x * x, axis=-1, keepdims=True)
    xn = jnp.maximum(jnp.sqrt(jnp.maximum(xn2, 1e-15)), EPS)
    mx = lax.dot_general(x, W_ref[...], (((1,), (1,)), ((), ())),
                         preferred_element_type=jnp.float32)
    mxn2 = jnp.sum(mx * mx, axis=-1, keepdims=True)
    mxn = jnp.maximum(jnp.sqrt(jnp.maximum(mxn2, 1e-15)), EPS)
    out = jnp.tanh(mxn / xn * _artanh(xn)) * mx / mxn
    on2 = jnp.sum(out * out, axis=-1, keepdims=True)
    on = jnp.sqrt(jnp.maximum(on2, 1e-15))
    out = jnp.where(on > MAXNORM, out / on * MAXNORM, out)
    b = b_ref[...]
    x2 = jnp.sum(out * out, axis=-1, keepdims=True)
    y2 = jnp.sum(b * b, axis=-1, keepdims=True)
    xy = jnp.sum(out * b, axis=-1, keepdims=True)
    num = (1.0 + 2.0 * xy + y2) * out + (1.0 - x2) * b
    den = 1.0 + 2.0 * xy + x2 * y2
    out = num / jnp.maximum(den, 1e-15)
    fn2 = jnp.sum(out * out, axis=-1, keepdims=True)
    fn = jnp.sqrt(jnp.maximum(fn2, 1e-15))
    feat = jnp.where(fn > MAXNORM, out / fn * MAXNORM, out)
    f2 = jnp.sum(feat * feat, axis=-1, keepdims=True)
    nl = jnp.maximum(jnp.sqrt(jnp.maximum(f2, 1e-15)), EPS)
    c = _artanh(nl) / nl
    l = c * feat
    g = 1.0 / c
    es = lax.dot_general(l * attn_ref[...], S_ref[...],
                         (((1,), (0,)), ((), ())),
                         preferred_element_type=jnp.float32)
    o_ref[...] = jnp.concatenate(
        [l, f2, g, es, jnp.zeros_like(es, shape=(es.shape[0], 6))], axis=1)


@functools.partial(jax.jit, static_argnames=("rows",))
def _node_phase(t, time_w, time_b, W, b, attn, rows):
    npad = ((rows + BLK - 1) // BLK) * BLK
    t2 = jnp.zeros((npad, 1), jnp.float32).at[:rows, 0].set(t)
    wT = time_w.reshape(1, DIM_TIME)
    tb = time_b.reshape(1, DIM_TIME)
    bv = b.reshape(1, DIM_OUT)
    attnf = attn.reshape(1, DIM_OUT)
    S = (jnp.arange(DIM_OUT)[:, None] // D_HEAD ==
         jnp.arange(NUM_HEAD)[None, :]).astype(jnp.float32)
    zero_map = lambda i: (0, 0)
    packed = pl.pallas_call(
        _node_body,
        grid=(npad // BLK,),
        in_specs=[
            pl.BlockSpec((BLK, 1), lambda i: (i, 0)),
            pl.BlockSpec((1, DIM_TIME), zero_map),
            pl.BlockSpec((1, DIM_TIME), zero_map),
            pl.BlockSpec((DIM_OUT, DIM_TIME), zero_map),
            pl.BlockSpec((1, DIM_OUT), zero_map),
            pl.BlockSpec((1, DIM_OUT), zero_map),
            pl.BlockSpec((DIM_OUT, NUM_HEAD), zero_map),
        ],
        out_specs=pl.BlockSpec((BLK, PACK), lambda i: (i, 0)),
        out_shape=jax.ShapeDtypeStruct((npad, PACK), jnp.float32),
    )(t2, wT, tb, W, bv, attnf, S)
    return packed[:rows]


def _edge_a_body(sp_ref, dp_ref, es_ref, ed_ref, q_ref, eh_ref,
                 sidx_a, sidx_b, didx_a, didx_b, srows, drows, qbuf, ehbuf,
                 sem_s, sem_d):
    wid = lax.axis_index("s") * 2 + lax.axis_index("c")
    iota = lax.iota(jnp.int32, 16)
    zi = jnp.zeros((16,), jnp.int32)

    def chunk(i, carry):
        cid = wid + NWORK * i

        @pl.when(cid < NCHUNK)
        def _():
            base = cid * CHUNK
            pltpu.sync_copy(es_ref.at[pl.ds(base, 128)], sidx_a)
            pltpu.sync_copy(es_ref.at[pl.ds(base + 128, 128)], sidx_b)
            pltpu.sync_copy(ed_ref.at[pl.ds(base, 128)], didx_a)
            pltpu.sync_copy(ed_ref.at[pl.ds(base + 128, 128)], didx_b)
            cps0 = pltpu.async_copy(sp_ref.at[sidx_a],
                                    srows.at[pl.ds(0, 128)], sem_s)
            cps1 = pltpu.async_copy(sp_ref.at[sidx_b],
                                    srows.at[pl.ds(128, 128)], sem_s)
            cpd0 = pltpu.async_copy(dp_ref.at[didx_a],
                                    drows.at[pl.ds(0, 128)], sem_d)
            cpd1 = pltpu.async_copy(dp_ref.at[didx_b],
                                    drows.at[pl.ds(128, 128)], sem_d)
            cps0.wait()
            cps1.wait()
            cpd0.wait()
            cpd1.wait()

            def jstep(j, c2):
                rowv = iota + j * 16

                def kstep(k, acc):
                    for u in range(8):
                        kv = zi + (k * 8 + u)
                        sv = plsc.load_gather(srows, [rowv, kv])
                        dv = plsc.load_gather(drows, [rowv, kv])
                        acc = acc + sv * dv
                    return acc

                r = lax.fori_loop(0, 16, kstep, jnp.zeros((16,), jnp.float32))
                x2 = plsc.load_gather(srows, [rowv, zi + 128])
                gs = plsc.load_gather(srows, [rowv, zi + 129])
                y2 = plsc.load_gather(drows, [rowv, zi + 128])
                gd = plsc.load_gather(drows, [rowv, zi + 129])
                xy = r * gs * gd
                al = 1.0 - 2.0 * xy + y2
                be = 1.0 - x2
                nn = al * al * x2 + be * be * y2 - 2.0 * al * be * xy
                den = jnp.maximum(1.0 - 2.0 * xy + x2 * y2, 1e-15)
                qbuf[pl.ds(j * 16, 16)] = nn / (den * den)
                for h in range(8):
                    ev = (plsc.load_gather(srows, [rowv, zi + 130 + h]) +
                          plsc.load_gather(drows, [rowv, zi + 130 + h]))
                    plsc.store_scatter(ehbuf, [rowv, zi + h], ev)
                return c2

            lax.fori_loop(0, CHUNK // 16, jstep, 0)
            pltpu.sync_copy(qbuf, q_ref.at[pl.ds(base, CHUNK)])
            pltpu.sync_copy(ehbuf, eh_ref.at[pl.ds(base, CHUNK)])

        return carry

    lax.fori_loop(0, ITERS, chunk, 0)


_edge_a = functools.partial(
    pl.kernel,
    mesh=plsc.VectorSubcoreMesh(core_axis_name="c", subcore_axis_name="s"),
    compiler_params=pltpu.CompilerParams(use_tc_tiling_on_sc=False, needs_layout_passes=False),
    out_type=[
        jax.ShapeDtypeStruct((NUM_EDGES,), jnp.float32),
        jax.ShapeDtypeStruct((NUM_EDGES, NUM_HEAD), jnp.float32),
    ],
    scratch_types=[
        pltpu.VMEM((128,), jnp.int32),
        pltpu.VMEM((128,), jnp.int32),
        pltpu.VMEM((128,), jnp.int32),
        pltpu.VMEM((128,), jnp.int32),
        pltpu.VMEM((CHUNK, PACK), jnp.float32),
        pltpu.VMEM((CHUNK, PACK), jnp.float32),
        pltpu.VMEM((CHUNK,), jnp.float32),
        pltpu.VMEM((CHUNK, NUM_HEAD), jnp.float32),
        pltpu.SemaphoreType.DMA,
        pltpu.SemaphoreType.DMA,
    ],
)(_edge_a_body)


def _edge_b_body(sp_ref, es_ref, ed_ref, e2_ref, m2_ref, z_ref, out_ref,
                 sidx_a, didx_a, srows, e2buf, m2rows, msg, acc, sem_s,
                 sem_m):
    cidx = lax.axis_index("c")
    sidx_ax = lax.axis_index("s")
    wid = sidx_ax * 2 + cidx
    iota = lax.iota(jnp.int32, 16)
    zi = jnp.zeros((16,), jnp.int32)
    zf = jnp.zeros((16,), jnp.float32)

    @pl.when(sidx_ax == 0)
    def _():
        pltpu.sync_copy(z_ref, acc)

    def zstep(j, c2):
        rowv = iota + j * 16
        for p in range(8):
            plsc.store_scatter(msg, [rowv, zi + 136 + p], zf)
        return c2

    lax.fori_loop(0, CHUNK_B // 16, zstep, 0)
    plsc.subcore_barrier()

    def chunk(i, carry):
        cid = wid + NWORK * i

        @pl.when(cid < NCHUNK_B)
        def _():
            base = cid * CHUNK_B
            pltpu.sync_copy(es_ref.at[pl.ds(base, CHUNK_B)], sidx_a)
            pltpu.sync_copy(ed_ref.at[pl.ds(base, CHUNK_B)], didx_a)
            pltpu.sync_copy(e2_ref.at[pl.ds(base, CHUNK_B)], e2buf)
            cpm = pltpu.async_copy(m2_ref.at[didx_a], m2rows, sem_m)
            cps = pltpu.async_copy(sp_ref.at[sidx_a], srows, sem_s)
            cpm.wait()
            cps.wait()

            def jstep(j, c2):
                rowv = iota + j * 16
                s1v = plsc.load_gather(m2rows, [rowv, zi + 8])
                rcp = 1.0 / jnp.maximum(s1v, 1e-15)
                for h in range(8):
                    e2v = plsc.load_gather(e2buf, [rowv, zi + h])
                    m2v = plsc.load_gather(m2rows, [rowv, zi + h])
                    xv = jnp.exp((e2v - m2v) * rcp)
                    plsc.store_scatter(msg, [rowv, zi + 128 + h], xv)
                    for u in range(16):
                        kv = zi + (h * 16 + u)
                        mv = plsc.load_gather(srows, [rowv, kv]) * xv
                        plsc.store_scatter(msg, [rowv, kv], mv)
                return c2

            lax.fori_loop(0, CHUNK_B // 16, jstep, 0)
            pltpu.sync_copy(msg, acc.at[didx_a], add=True)

        return carry

    lax.fori_loop(0, ITERS_B, chunk, 0)
    plsc.subcore_barrier()

    @pl.when(sidx_ax == 0)
    def _():
        pltpu.sync_copy(acc, out_ref.at[cidx])


_edge_b = functools.partial(
    pl.kernel,
    mesh=plsc.VectorSubcoreMesh(core_axis_name="c", subcore_axis_name="s"),
    compiler_params=pltpu.CompilerParams(use_tc_tiling_on_sc=False, needs_layout_passes=False),
    out_type=jax.ShapeDtypeStruct((2, NUM_DST, PACK), jnp.float32),
    scratch_types=[
        pltpu.VMEM((CHUNK_B,), jnp.int32),
        pltpu.VMEM((CHUNK_B,), jnp.int32),
        pltpu.VMEM((CHUNK_B, PACK), jnp.float32),
        pltpu.VMEM((CHUNK_B, NUM_HEAD), jnp.float32),
        pltpu.VMEM((CHUNK_B, 16), jnp.float32),
        pltpu.VMEM((CHUNK_B, PACK), jnp.float32),
        pltpu.VMEM_SHARED((NUM_DST, PACK), jnp.float32),
        pltpu.SemaphoreType.DMA,
        pltpu.SemaphoreType.DMA,
    ],
)(_edge_b_body)


def _final_body(p_ref, R_ref, o_ref):
    ps = p_ref[0] + p_ref[1]
    u = ps[:, :DIM_OUT]
    s2 = ps[:, DIM_OUT:DIM_OUT + NUM_HEAD]
    s2rep = lax.dot_general(s2, R_ref[...], (((1,), (0,)), ((), ())),
                            preferred_element_type=jnp.float32)
    ft = u / jnp.maximum(s2rep, 1e-15)
    n2 = jnp.sum(ft * ft, axis=-1, keepdims=True)
    n = jnp.maximum(jnp.sqrt(jnp.maximum(n2, 1e-15)), EPS)
    o_ref[...] = jnp.tanh(n) * ft / n


def _final_phase(partials):
    p = jnp.zeros((2, DPAD, PACK), jnp.float32).at[:, :NUM_DST].set(partials)
    R = (jnp.arange(NUM_HEAD)[:, None] ==
         jnp.arange(DIM_OUT)[None, :] // D_HEAD).astype(jnp.float32)
    out = pl.pallas_call(
        _final_body,
        grid=(DPAD // BLK,),
        in_specs=[pl.BlockSpec((2, BLK, PACK), lambda i: (0, i, 0)),
                  pl.BlockSpec((NUM_HEAD, DIM_OUT), lambda i: (0, 0))],
        out_specs=pl.BlockSpec((BLK, DIM_OUT), lambda i: (i, 0)),
        out_shape=jax.ShapeDtypeStruct((DPAD, DIM_OUT), jnp.float32),
    )(p, R)
    return out[:NUM_DST]


def _seg_softmax(v, dst, num_seg):
    m = jax.ops.segment_max(v, dst, num_segments=num_seg)
    m = jnp.where(jnp.isfinite(m), m, 0.0)
    ex = jnp.exp(v - m[dst])
    s = jax.ops.segment_sum(ex, dst, num_segments=num_seg)
    return ex / jnp.maximum(s[dst], 1e-15)


def kernel(dt, edge_src, edge_dst, time_w, time_b, fc_src_W, fc_src_b,
           fc_dst_W, fc_dst_b, attn):
    D = NUM_DST
    n_all = D + NUM_EDGES
    t_all = jnp.concatenate([jnp.zeros((D,), jnp.float32), dt])
    src_pack = _node_phase(t_all, time_w, time_b, fc_src_W, fc_src_b,
                           attn, rows=n_all)
    dst_pack = _node_phase(t_all[:D], time_w, time_b, fc_dst_W, fc_dst_b,
                           attn, rows=D)

    q, eh = _edge_a(src_pack, dst_pack, edge_src, edge_dst)

    n = jnp.sqrt(jnp.maximum(q, 1e-15))
    dist = 2.0 * jnp.arctanh(jnp.clip(n, -1.0 + 1e-7, 1.0 - 1e-7))
    dist = 1.0 / (1e-15 + dist)
    m1 = jax.ops.segment_max(dist, edge_dst, num_segments=D)
    m1 = jnp.where(jnp.isfinite(m1), m1, 0.0)
    ex = jnp.exp(dist - m1[edge_dst])
    s1 = jax.ops.segment_sum(ex, edge_dst, num_segments=D)
    leh = jnp.where(eh >= 0, eh, 0.2 * eh)
    v = ex[:, None] * leh
    m2 = jax.ops.segment_max(v, edge_dst, num_segments=D)
    m2 = jnp.where(jnp.isfinite(m2), m2, 0.0)
    m2p = (jnp.zeros((D, 16), jnp.float32).at[:, :NUM_HEAD].set(m2)
           .at[:, NUM_HEAD].set(s1))
    e2 = v

    zeros = jnp.zeros((D, PACK), jnp.float32)
    partials = _edge_b(src_pack, edge_src, edge_dst, e2, m2p, zeros)
    return _final_phase(partials)

# --- scband reference (transcript-rebuilt; emitter-appended) ---
"""Pipeline reference for scband-hgatlayer-63359357551441 (READ-ONLY COPY).

The authoritative reference and input builder live on the scoring server;
editing this copy changes nothing except your own understanding.
"""

import jax, jax.numpy as jnp
import numpy as np

NUM_DST = 10000
NUM_EDGES = 320000
DIM_TIME = 128
DIM_OUT = 128
NUM_HEAD = 8
D_HEAD = DIM_OUT // NUM_HEAD
EPS = 1e-5

def _norm(x):
    return jnp.sqrt(jnp.maximum(jnp.sum(x * x, axis=-1, keepdims=True), 1e-15))

def artanh(x):
    return jnp.arctanh(jnp.clip(x, -1.0 + 1e-7, 1.0 - 1e-7))

def projx(x):
    n = _norm(x)
    maxnorm = 1.0 - 1e-3
    return jnp.where(n > maxnorm, x / n * maxnorm, x)

def expmap0(u):
    n = jnp.maximum(_norm(u), EPS)
    return jnp.tanh(n) * u / n

def logmap0(y):
    n = jnp.maximum(_norm(y), EPS)
    return artanh(n) * y / n

def mobius_add(x, y):
    x2 = jnp.sum(x * x, axis=-1, keepdims=True)
    y2 = jnp.sum(y * y, axis=-1, keepdims=True)
    xy = jnp.sum(x * y, axis=-1, keepdims=True)
    num = (1.0 + 2.0 * xy + y2) * x + (1.0 - x2) * y
    den = 1.0 + 2.0 * xy + x2 * y2
    return num / jnp.maximum(den, 1e-15)

def mobius_matvec(W, x):
    xn = jnp.maximum(_norm(x), EPS)
    mx = x @ W.T
    mxn = jnp.maximum(_norm(mx), EPS)
    return jnp.tanh(mxn / xn * artanh(xn)) * mx / mxn

def mobius_linear(x, W, b):
    out = mobius_matvec(W, x)
    out = projx(out)
    out = mobius_add(out, b)
    return projx(out)

def ball_dist(x, y):
    return 2.0 * artanh(_norm(mobius_add(-x, y))[..., 0])

def edge_softmax(e, dst, num_dst):
    m = jax.ops.segment_max(e, dst, num_segments=num_dst)
    m = jnp.where(jnp.isfinite(m), m, 0.0)
    ex = jnp.exp(e - m[dst])
    s = jax.ops.segment_sum(ex, dst, num_segments=num_dst)
    return ex / jnp.maximum(s[dst], 1e-15)

def _forward(dt, time_w, time_b, fc_src_W, fc_src_b, fc_dst_W, fc_dst_b, attn, edge_src, edge_dst):
    D = NUM_DST
    # TimeEncode over [zeros(num_dst); dt]  -> per-src-node time features
    t = jnp.concatenate([jnp.zeros((D,), jnp.float32), dt])
    time_feat = jnp.cos(t[:, None] @ time_w.T + time_b[None, :])
    time_feat = projx(time_feat)
    src_feat = time_feat  # dim_node_feat == 0
    h_dst = src_feat[:D]
    feat_src = mobius_linear(src_feat, fc_src_W, fc_src_b)
    feat_dst = mobius_linear(h_dst, fc_dst_W, fc_dst_b)
    feat_src_e = logmap0(feat_src).reshape(-1, NUM_HEAD, D_HEAD)
    feat_dst_e = logmap0(feat_dst).reshape(-1, NUM_HEAD, D_HEAD)
    # u_add_v gather on edges
    el = feat_src_e[edge_src]
    er = feat_dst_e[edge_dst]
    e = jnp.sum((el + er) * attn, axis=-1)[:, :, None]
    # hyperbolic distance weighting
    ll = feat_src[edge_src]
    lr = feat_dst[edge_dst]
    dist = ball_dist(ll, lr)
    dist = 1.0 / (1e-15 + dist)
    dist_sm = edge_softmax(dist[:, None], edge_dst, D)[:, :, None]
    e = e * dist_sm
    e = jax.nn.leaky_relu(e, 0.2)
    a = edge_softmax(e, edge_dst, D)
    m = el * a
    ft = jax.ops.segment_sum(m, edge_dst, num_segments=D)
    rst = ft.reshape(-1, DIM_OUT)
    return expmap0(rst)

def setup_inputs(seed: int = 0):
    key = jax.random.key(seed)
    ks = jax.random.split(key, 8)
    dt = jax.random.uniform(ks[0], (NUM_EDGES,), dtype=jnp.float32)
    edge_src = jax.random.randint(ks[1], (NUM_EDGES,), 0, NUM_DST + NUM_EDGES, dtype=jnp.int32)
    edge_dst = jax.random.randint(ks[2], (NUM_EDGES,), 0, NUM_DST, dtype=jnp.int32)
    time_w = jnp.asarray((1.0 / 10 ** np.linspace(0, 9, DIM_TIME, dtype=np.float32)).reshape(DIM_TIME, 1))
    time_b = jnp.zeros((DIM_TIME,), jnp.float32)
    fc_src_W = jax.random.normal(ks[3], (DIM_OUT, DIM_TIME), dtype=jnp.float32) * 0.125
    fc_src_b = jax.random.normal(ks[4], (DIM_OUT,), dtype=jnp.float32) * 0.01
    fc_dst_W = jax.random.normal(ks[5], (DIM_OUT, DIM_TIME), dtype=jnp.float32) * 0.125
    fc_dst_b = jax.random.normal(ks[6], (DIM_OUT,), dtype=jnp.float32) * 0.01
    attn = jax.random.normal(ks[7], (1, NUM_HEAD, D_HEAD), dtype=jnp.float32) * 0.3
    return {"dt": dt, "edge_src": edge_src, "edge_dst": edge_dst, "time_w": time_w, "time_b": time_b, "fc_src_W": fc_src_W, "fc_src_b": fc_src_b, "fc_dst_W": fc_dst_W, "fc_dst_b": fc_dst_b, "attn": attn}

def reference(dt, edge_src, edge_dst, time_w, time_b, fc_src_W, fc_src_b, fc_dst_W, fc_dst_b, attn):
    return _forward(dt, time_w, time_b, fc_src_W, fc_src_b, fc_dst_W, fc_dst_b, attn, edge_src, edge_dst)

if __name__ == "__main__":
    import jax
    _d = setup_inputs()
    print(jax.jit(kernel)(*tuple(_d.values())))

</pallas_src>

<mosaic_0001>
module attributes {stable_mosaic.version = 14 : i64} {
  func.func @_node_body(%arg0: i32, %arg1: memref<1024x1xf32, #tpu.memory_space<vmem>>, %arg2: memref<1x128xf32, #tpu.memory_space<vmem>>, %arg3: memref<1x128xf32, #tpu.memory_space<vmem>>, %arg4: memref<128x128xf32, #tpu.memory_space<vmem>>, %arg5: memref<1x128xf32, #tpu.memory_space<vmem>>, %arg6: memref<1x128xf32, #tpu.memory_space<vmem>>, %arg7: memref<128x8xf32, #tpu.memory_space<vmem>>, %arg8: memref<1024x144xf32, #tpu.memory_space<vmem>>) attributes {dimension_semantics = [#tpu.dimension_semantics<arbitrary>], iteration_bounds = array<i64: 323>, scalar_prefetch = 0 : i64, scratch_operands = 0 : i64, tpu.core_type = #tpu.core_type<tc>, window_params = [{transform_indices = @transform_0, window_bounds = array<i64: 1024, 1>}, {pipeline_mode = #tpu.pipeline_mode<synchronous>, transform_indices = @transform_1, window_bounds = array<i64: 1, 128>}, {pipeline_mode = #tpu.pipeline_mode<synchronous>, transform_indices = @transform_2, window_bounds = array<i64: 1, 128>}, {pipeline_mode = #tpu.pipeline_mode<synchronous>, transform_indices = @transform_3, window_bounds = array<i64: 128, 128>}, {pipeline_mode = #tpu.pipeline_mode<synchronous>, transform_indices = @transform_4, window_bounds = array<i64: 1, 128>}, {pipeline_mode = #tpu.pipeline_mode<synchronous>, transform_indices = @transform_5, window_bounds = array<i64: 1, 128>}, {pipeline_mode = #tpu.pipeline_mode<synchronous>, transform_indices = @transform_6, window_bounds = array<i64: 128, 8>}, {transform_indices = @transform_7, window_bounds = array<i64: 1024, 144>}]} {
    %get3A = arith.constant 0 : index
    %get3A_0 = arith.constant 0 : index
    %get3A_1 = vector.load %arg1[%get3A, %get3A_0] : memref<1024x1xf32, #tpu.memory_space<vmem>>, vector<1024x1xf32>
    %get3A_2 = arith.constant 0 : index
    %get3A_3 = arith.constant 0 : index
    %get3A_4 = vector.load %arg2[%get3A_2, %get3A_3] : memref<1x128xf32, #tpu.memory_space<vmem>>, vector<1x128xf32>
    %mul3A = vector.broadcast %get3A_1 : vector<1024x1xf32> to vector<1024x128xf32>
    %mul3A_5 = vector.broadcast %get3A_4 : vector<1x128xf32> to vector<1024x128xf32>
    %mul3A_6 = arith.mulf %mul3A, %mul3A_5 : vector<1024x128xf32>
    %get3A_7 = arith.constant 0 : index
    %get3A_8 = arith.constant 0 : index
    %get3A_9 = vector.load %arg3[%get3A_7, %get3A_8] : memref<1x128xf32, #tpu.memory_space<vmem>>, vector<1x128xf32>
    %add3A = vector.broadcast %get3A_9 : vector<1x128xf32> to vector<1024x128xf32>
    %add3A_10 = arith.addf %mul3A_6, %add3A : vector<1024x128xf32>
    %cos3A = math.cos %add3A_10 : vector<1024x128xf32>
    %mul3A_11 = arith.mulf %cos3A, %cos3A : vector<1024x128xf32>
    %reduce_sum3A = arith.constant dense<0.000000e+00> : vector<1024xf32>
    %reduce_sum3A_12 = vector.multi_reduction <add>, %mul3A_11, %reduce_sum3A [1] : vector<1024x128xf32> to vector<1024xf32>
    %broadcast_in_dim3A = vector.shape_cast %reduce_sum3A_12 : vector<1024xf32> to vector<1024x1xf32>
    %max3A = arith.constant 1.000000e-15 : f32
    %max3A_13 = vector.broadcast %max3A : f32 to vector<1024x1xf32>
    %max3A_14 = arith.maximumf %broadcast_in_dim3A, %max3A_13 : vector<1024x1xf32>
    %sqrt3A = math.sqrt %max3A_14 : vector<1024x1xf32>
    %gt3A = arith.constant 9.990000e-01 : f32
    %gt3A_15 = vector.broadcast %gt3A : f32 to vector<1024x1xf32>
    %gt3A_16 = arith.cmpf ogt, %sqrt3A, %gt3A_15 : vector<1024x1xf32>
    %div3A = vector.broadcast %sqrt3A : vector<1024x1xf32> to vector<1024x128xf32>
    %div3A_17 = arith.divf %cos3A, %div3A : vector<1024x128xf32>
    %mul3A_18 = arith.constant 9.990000e-01 : f32
    %mul3A_19 = vector.broadcast %mul3A_18 : f32 to vector<1024x128xf32>
    %mul3A_20 = arith.mulf %div3A_17, %mul3A_19 : vector<1024x128xf32>
    %broadcast_in_dim3A_21 = vector.shape_cast %gt3A_16 : vector<1024x1xi1> to vector<1024x1xi1>
    %broadcast_in_dim3A_22 = vector.broadcast %broadcast_in_dim3A_21 : vector<1024x1xi1> to vector<1024x128xi1>
    %select_n3A = arith.select %broadcast_in_dim3A_22, %mul3A_20, %cos3A : vector<1024x128xi1>, vector<1024x128xf32>
    %mul3A_23 = arith.mulf %select_n3A, %select_n3A : vector<1024x128xf32>
    %reduce_sum3A_24 = arith.constant dense<0.000000e+00> : vector<1024xf32>
    %reduce_sum3A_25 = vector.multi_reduction <add>, %mul3A_23, %reduce_sum3A_24 [1] : vector<1024x128xf32> to vector<1024xf32>
    %broadcast_in_dim3A_26 = vector.shape_cast %reduce_sum3A_25 : vector<1024xf32> to vector<1024x1xf32>
    %max3A_27 = arith.constant 1.000000e-15 : f32
    %max3A_28 = vector.broadcast %max3A_27 : f32 to vector<1024x1xf32>
    %max3A_29 = arith.maximumf %broadcast_in_dim3A_26, %max3A_28 : vector<1024x1xf32>
    %sqrt3A_30 = math.sqrt %max3A_29 : vector<1024x1xf32>
    %max3A_31 = arith.constant 9.99999974E-6 : f32
    %max3A_32 = vector.broadcast %max3A_31 : f32 to vector<1024x1xf32>
    %max3A_33 = arith.maximumf %sqrt3A_30, %max3A_32 : vector<1024x1xf32>
    %get3A_34 = arith.constant 0 : index
    %get3A_35 = arith.constant 0 : index
    %get3A_36 = vector.load %arg4[%get3A_34, %get3A_35] : memref<128x128xf32, #tpu.memory_space<vmem>>, vector<128x128xf32>
    %dot_general3A = arith.constant dense<0.000000e+00> : vector<1024x128xf32>
    %dot_general3A_37 = tpu.matmul %select_n3A, %get3A_36, %dot_general3A {dimension_numbers = #tpu.dot_dimension_numbers<[1], [1], [0], [0], [0, 0, 1, 0], [], []>, transpose_lhs_hint = false} : vector<1024x128xf32>, vector<128x128xf32>, vector<1024x128xf32> -> vector<1024x128xf32>
    %mul3A_38 = arith.mulf %dot_general3A_37, %dot_general3A_37 : vector<1024x128xf32>
    %reduce_sum3A_39 = arith.constant dense<0.000000e+00> : vector<1024xf32>
    %reduce_sum3A_40 = vector.multi_reduction <add>, %mul3A_38, %reduce_sum3A_39 [1] : vector<1024x128xf32> to vector<1024xf32>
    %broadcast_in_dim3A_41 = vector.shape_cast %reduce_sum3A_40 : vector<1024xf32> to vector<1024x1xf32>
    %max3A_42 = arith.constant 1.000000e-15 : f32
    %max3A_43 = vector.broadcast %max3A_42 : f32 to vector<1024x1xf32>
    %max3A_44 = arith.maximumf %broadcast_in_dim3A_41, %max3A_43 : vector<1024x1xf32>
    %sqrt3A_45 = math.sqrt %max3A_44 : vector<1024x1xf32>
    %max3A_46 = arith.constant 9.99999974E-6 : f32
    %max3A_47 = vector.broadcast %max3A_46 : f32 to vector<1024x1xf32>
    %max3A_48 = arith.maximumf %sqrt3A_45, %max3A_47 : vector<1024x1xf32>
    %div3A_49 = arith.divf %max3A_48, %max3A_33 : vector<1024x1xf32>
    %jit3A = arith.constant -0.99999988 : f32
    %jit3A_50 = arith.constant 0.99999988 : f32
    %max3A_51 = vector.broadcast %jit3A : f32 to vector<1024x1xf32>
    %max3A_52 = arith.maximumf %max3A_51, %max3A_33 : vector<1024x1xf32>
    %min3A = vector.broadcast %jit3A_50 : f32 to vector<1024x1xf32>
    %min3A_53 = arith.minimumf %min3A, %max3A_52 : vector<1024x1xf32>
    %add3A_54 = arith.constant 1.000000e+00 : f32
    %add3A_55 = vector.broadcast %add3A_54 : f32 to vector<1024x1xf32>
    %add3A_56 = arith.addf %add3A_55, %min3A_53 : vector<1024x1xf32>
    %sub3A = arith.constant 1.000000e+00 : f32
    %sub3A_57 = vector.broadcast %sub3A : f32 to vector<1024x1xf32>
    %sub3A_58 = arith.subf %sub3A_57, %min3A_53 : vector<1024x1xf32>
    %div3A_59 = arith.divf %add3A_56, %sub3A_58 : vector<1024x1xf32>
    %log3A = math.log %div3A_59 : vector<1024x1xf32>
    %mul3A_60 = arith.constant 5.000000e-01 : f32
    %mul3A_61 = vector.broadcast %mul3A_60 : f32 to vector<1024x1xf32>
    %mul3A_62 = arith.mulf %mul3A_61, %log3A : vector<1024x1xf32>
    %mul3A_63 = arith.mulf %div3A_49, %mul3A_62 : vector<1024x1xf32>
    %tanh3A = math.tanh %mul3A_63 : vector<1024x1xf32>
    %mul3A_64 = vector.broadcast %tanh3A : vector<1024x1xf32> to vector<1024x128xf32>
    %mul3A_65 = arith.mulf %mul3A_64, %dot_general3A_37 : vector<1024x128xf32>
    %div3A_66 = vector.broadcast %max3A_48 : vector<1024x1xf32> to vector<1024x128xf32>
    %div3A_67 = arith.divf %mul3A_65, %div3A_66 : vector<1024x128xf32>
    %mul3A_68 = arith.mulf %div3A_67, %div3A_67 : vector<1024x128xf32>
    %reduce_sum3A_69 = arith.constant dense<0.000000e+00> : vector<1024xf32>
    %reduce_sum3A_70 = vector.multi_reduction <add>, %mul3A_68, %reduce_sum3A_69 [1] : vector<1024x128xf32> to vector<1024xf32>
    %broadcast_in_dim3A_71 = vector.shape_cast %reduce_sum3A_70 : vector<1024xf32> to vector<1024x1xf32>
    %max3A_72 = arith.constant 1.000000e-15 : f32
    %max3A_73 = vector.broadcast %max3A_72 : f32 to vector<1024x1xf32>
    %max3A_74 = arith.maximumf %broadcast_in_dim3A_71, %max3A_73 : vector<1024x1xf32>
    %sqrt3A_75 = math.sqrt %max3A_74 : vector<1024x1xf32>
    %gt3A_76 = arith.constant 9.990000e-01 : f32
    %gt3A_77 = vector.broadcast %gt3A_76 : f32 to vector<1024x1xf32>
    %gt3A_78 = arith.cmpf ogt, %sqrt3A_75, %gt3A_77 : vector<1024x1xf32>
    %div3A_79 = vector.broadcast %sqrt3A_75 : vector<1024x1xf32> to vector<1024x128xf32>
    %div3A_80 = arith.divf %div3A_67, %div3A_79 : vector<1024x128xf32>
    %mul3A_81 = arith.constant 9.990000e-01 : f32
    %mul3A_82 = vector.broadcast %mul3A_81 : f32 to vector<1024x128xf32>
    %mul3A_83 = arith.mulf %div3A_80, %mul3A_82 : vector<1024x128xf32>
    %broadcast_in_dim3A_84 = vector.shape_cast %gt3A_78 : vector<1024x1xi1> to vector<1024x1xi1>
    %broadcast_in_dim3A_85 = vector.broadcast %broadcast_in_dim3A_84 : vector<1024x1xi1> to vector<1024x128xi1>
    %select_n3A_86 = arith.select %broadcast_in_dim3A_85, %mul3A_83, %div3A_67 : vector<1024x128xi1>, vector<1024x128xf32>
    %get3A_87 = arith.constant 0 : index
    %get3A_88 = arith.constant 0 : index
    %get3A_89 = vector.load %arg5[%get3A_87, %get3A_88] : memref<1x128xf32, #tpu.memory_space<vmem>>, vector<1x128xf32>
    %mul3A_90 = arith.mulf %select_n3A_86, %select_n3A_86 : vector<1024x128xf32>
    %reduce_sum3A_91 = arith.constant dense<0.000000e+00> : vector<1024xf32>
    %reduce_sum3A_92 = vector.multi_reduction <add>, %mul3A_90, %reduce_sum3A_91 [1] : vector<1024x128xf32> to vector<1024xf32>
    %broadcast_in_dim3A_93 = vector.shape_cast %reduce_sum3A_92 : vector<1024xf32> to vector<1024x1xf32>
    %mul3A_94 = arith.mulf %get3A_89, %get3A_89 : vector<1x128xf32>
    %reduce_sum3A_95 = arith.constant dense<0.000000e+00> : vector<1xf32>
    %reduce_sum3A_96 = vector.multi_reduction <add>, %mul3A_94, %reduce_sum3A_95 [1] : vector<1x128xf32> to vector<1xf32>
    %broadcast_in_dim3A_97 = vector.shape_cast %reduce_sum3A_96 : vector<1xf32> to vector<1x1xf32>
    %mul3A_98 = vector.broadcast %get3A_89 : vector<1x128xf32> to vector<1024x128xf32>
    %mul3A_99 = arith.mulf %select_n3A_86, %mul3A_98 : vector<1024x128xf32>
    %reduce_sum3A_100 = arith.constant dense<0.000000e+00> : vector<1024xf32>
    %reduce_sum3A_101 = vector.multi_reduction <add>, %mul3A_99, %reduce_sum3A_100 [1] : vector<1024x128xf32> to vector<1024xf32>
    %broadcast_in_dim3A_102 = vector.shape_cast %reduce_sum3A_101 : vector<1024xf32> to vector<1024x1xf32>
    %mul3A_103 = arith.constant 2.000000e+00 : f32
    %mul3A_104 = vector.broadcast %mul3A_103 : f32 to vector<1024x1xf32>
    %mul3A_105 = arith.mulf %mul3A_104, %broadcast_in_dim3A_102 : vector<1024x1xf32>
    %add3A_106 = arith.constant 1.000000e+00 : f32
    %add3A_107 = vector.broadcast %add3A_106 : f32 to vector<1024x1xf32>
    %add3A_108 = arith.addf %add3A_107, %mul3A_105 : vector<1024x1xf32>
    %add3A_109 = vector.broadcast %broadcast_in_dim3A_97 : vector<1x1xf32> to vector<1024x1xf32>
    %add3A_110 = arith.addf %add3A_108, %add3A_109 : vector<1024x1xf32>
    %mul3A_111 = vector.broadcast %add3A_110 : vector<1024x1xf32> to vector<1024x128xf32>
    %mul3A_112 = arith.mulf %mul3A_111, %select_n3A_86 : vector<1024x128xf32>
    %sub3A_113 = arith.constant 1.000000e+00 : f32
    %sub3A_114 = vector.broadcast %sub3A_113 : f32 to vector<1024x1xf32>
    %sub3A_115 = arith.subf %sub3A_114, %broadcast_in_dim3A_93 : vector<1024x1xf32>
    %mul3A_116 = vector.broadcast %sub3A_115 : vector<1024x1xf32> to vector<1024x128xf32>
    %mul3A_117 = vector.broadcast %get3A_89 : vector<1x128xf32> to vector<1024x128xf32>
    %mul3A_118 = arith.mulf %mul3A_116, %mul3A_117 : vector<1024x128xf32>
    %add3A_119 = arith.addf %mul3A_112, %mul3A_118 : vector<1024x128xf32>
    %mul3A_120 = arith.constant 2.000000e+00 : f32
    %mul3A_121 = vector.broadcast %mul3A_120 : f32 to vector<1024x1xf32>
    %mul3A_122 = arith.mulf %mul3A_121, %broadcast_in_dim3A_102 : vector<1024x1xf32>
    %add3A_123 = arith.constant 1.000000e+00 : f32
    %add3A_124 = vector.broadcast %add3A_123 : f32 to vector<1024x1xf32>
    %add3A_125 = arith.addf %add3A_124, %mul3A_122 : vector<1024x1xf32>
    %mul3A_126 = vector.broadcast %broadcast_in_dim3A_97 : vector<1x1xf32> to vector<1024x1xf32>
    %mul3A_127 = arith.mulf %broadcast_in_dim3A_93, %mul3A_126 : vector<1024x1xf32>
    %add3A_128 = arith.addf %add3A_125, %mul3A_127 : vector<1024x1xf32>
    %max3A_129 = arith.constant 1.000000e-15 : f32
    %max3A_130 = vector.broadcast %max3A_129 : f32 to vector<1024x1xf32>
    %max3A_131 = arith.maximumf %add3A_128, %max3A_130 : vector<1024x1xf32>
    %div3A_132 = vector.broadcast %max3A_131 : vector<1024x1xf32> to vector<1024x128xf32>
    %div3A_133 = arith.divf %add3A_119, %div3A_132 : vector<1024x128xf32>
    %mul3A_134 = arith.mulf %div3A_133, %div3A_133 : vector<1024x128xf32>
    %reduce_sum3A_135 = arith.constant dense<0.000000e+00> : vector<1024xf32>
    %reduce_sum3A_136 = vector.multi_reduction <add>, %mul3A_134, %reduce_sum3A_135 [1] : vector<1024x128xf32> to vector<1024xf32>
    %broadcast_in_dim3A_137 = vector.shape_cast %reduce_sum3A_136 : vector<1024xf32> to vector<1024x1xf32>
    %max3A_138 = arith.constant 1.000000e-15 : f32
    %max3A_139 = vector.broadcast %max3A_138 : f32 to vector<1024x1xf32>
    %max3A_140 = arith.maximumf %broadcast_in_dim3A_137, %max3A_139 : vector<1024x1xf32>
    %sqrt3A_141 = math.sqrt %max3A_140 : vector<1024x1xf32>
    %gt3A_142 = arith.constant 9.990000e-01 : f32
    %gt3A_143 = vector.broadcast %gt3A_142 : f32 to vector<1024x1xf32>
    %gt3A_144 = arith.cmpf ogt, %sqrt3A_141, %gt3A_143 : vector<1024x1xf32>
    %div3A_145 = vector.broadcast %sqrt3A_141 : vector<1024x1xf32> to vector<1024x128xf32>
    %div3A_146 = arith.divf %div3A_133, %div3A_145 : vector<1024x128xf32>
    %mul3A_147 = arith.constant 9.990000e-01 : f32
    %mul3A_148 = vector.broadcast %mul3A_147 : f32 to vector<1024x128xf32>
    %mul3A_149 = arith.mulf %div3A_146, %mul3A_148 : vector<1024x128xf32>
    %broadcast_in_dim3A_150 = vector.shape_cast %gt3A_144 : vector<1024x1xi1> to vector<1024x1xi1>
    %broadcast_in_dim3A_151 = vector.broadcast %broadcast_in_dim3A_150 : vector<1024x1xi1> to vector<1024x128xi1>
    %select_n3A_152 = arith.select %broadcast_in_dim3A_151, %mul3A_149, %div3A_133 : vector<1024x128xi1>, vector<1024x128xf32>
    %mul3A_153 = arith.mulf %select_n3A_152, %select_n3A_152 : vector<1024x128xf32>
    %reduce_sum3A_154 = arith.constant dense<0.000000e+00> : vector<1024xf32>
    %reduce_sum3A_155 = vector.multi_reduction <add>, %mul3A_153, %reduce_sum3A_154 [1] : vector<1024x128xf32> to vector<1024xf32>
    %broadcast_in_dim3A_156 = vector.shape_cast %reduce_sum3A_155 : vector<1024xf32> to vector<1024x1xf32>
    %max3A_157 = arith.constant 1.000000e-15 : f32
    %max3A_158 = vector.broadcast %max3A_157 : f32 to vector<1024x1xf32>
    %max3A_159 = arith.maximumf %broadcast_in_dim3A_156, %max3A_158 : vector<1024x1xf32>
    %sqrt3A_160 = math.sqrt %max3A_159 : vector<1024x1xf32>
    %max3A_161 = arith.constant 9.99999974E-6 : f32
    %max3A_162 = vector.broadcast %max3A_161 : f32 to vector<1024x1xf32>
    %max3A_163 = arith.maximumf %sqrt3A_160, %max3A_162 : vector<1024x1xf32>
    %jit3A_164 = arith.constant -0.99999988 : f32
    %jit3A_165 = arith.constant 0.99999988 : f32
    %max3A_166 = vector.broadcast %jit3A_164 : f32 to vector<1024x1xf32>
    %max3A_167 = arith.maximumf %max3A_166, %max3A_163 : vector<1024x1xf32>
    %min3A_168 = vector.broadcast %jit3A_165 : f32 to vector<1024x1xf32>
    %min3A_169 = arith.minimumf %min3A_168, %max3A_167 : vector<1024x1xf32>
    %add3A_170 = arith.constant 1.000000e+00 : f32
    %add3A_171 = vector.broadcast %add3A_170 : f32 to vector<1024x1xf32>
    %add3A_172 = arith.addf %add3A_171, %min3A_169 : vector<1024x1xf32>
    %sub3A_173 = arith.constant 1.000000e+00 : f32
    %sub3A_174 = vector.broadcast %sub3A_173 : f32 to vector<1024x1xf32>
    %sub3A_175 = arith.subf %sub3A_174, %min3A_169 : vector<1024x1xf32>
    %div3A_176 = arith.divf %add3A_172, %sub3A_175 : vector<1024x1xf32>
    %log3A_177 = math.log %div3A_176 : vector<1024x1xf32>
    %mul3A_178 = arith.constant 5.000000e-01 : f32
    %mul3A_179 = vector.broadcast %mul3A_178 : f32 to vector<1024x1xf32>
    %mul3A_180 = arith.mulf %mul3A_179, %log3A_177 : vector<1024x1xf32>
    %div3A_181 = arith.divf %mul3A_180, %max3A_163 : vector<1024x1xf32>
    %mul3A_182 = vector.broadcast %div3A_181 : vector<1024x1xf32> to vector<1024x128xf32>
    %mul3A_183 = arith.mulf %mul3A_182, %select_n3A_152 : vector<1024x128xf32>
    %div3A_184 = arith.constant 1.000000e+00 : f32
    %div3A_185 = vector.broadcast %div3A_184 : f32 to vector<1024x1xf32>
    %div3A_186 = arith.divf %div3A_185, %div3A_181 : vector<1024x1xf32>
    %get3A_187 = arith.constant 0 : index
    %get3A_188 = arith.constant 0 : index
    %get3A_189 = vector.load %arg6[%get3A_187, %get3A_188] : memref<1x128xf32, #tpu.memory_space<vmem>>, vector<1x128xf32>
    %mul3A_190 = vector.broadcast %get3A_189 : vector<1x128xf32> to vector<1024x128xf32>
    %mul3A_191 = arith.mulf %mul3A_183, %mul3A_190 : vector<1024x128xf32>
    %get3A_192 = arith.constant 0 : index
    %get3A_193 = arith.constant 0 : index
    %get3A_194 = vector.load %arg7[%get3A_192, %get3A_193] : memref<128x8xf32, #tpu.memory_space<vmem>>, vector<128x8xf32>
    %dot_general3A_195 = arith.constant dense<0.000000e+00> : vector<1024x8xf32>
    %dot_general3A_196 = tpu.matmul %mul3A_191, %get3A_194, %dot_general3A_195 {dimension_numbers = #tpu.dot_dimension_numbers<[1], [0], [0], [1], [0, 0, 1, 1], [], []>, transpose_lhs_hint = false} : vector<1024x128xf32>, vector<128x8xf32>, vector<1024x8xf32> -> vector<1024x8xf32>
    %broadcast_in_dim3A_197 = arith.constant 0.000000e+00 : f32
    %broadcast_in_dim3A_198 = vector.broadcast %broadcast_in_dim3A_197 : f32 to vector<1024x6xf32>
    %concatenate3A = tpu.concatenate %mul3A_183, %broadcast_in_dim3A_156, %div3A_186, %dot_general3A_196, %broadcast_in_dim3A_198 in 1 : vector<1024x128xf32>, vector<1024x1xf32>, vector<1024x1xf32>, vector<1024x8xf32>, vector<1024x6xf32> -> vector<1024x144xf32>
    %swap3A = arith.constant 0 : index
    %swap3A_199 = arith.constant 0 : index
    %swap3A_200 = vector.load %arg8[%swap3A, %swap3A_199] : memref<1024x144xf32, #tpu.memory_space<vmem>>, vector<1024x144xf32>
    tpu.vector_store %arg8[%swap3A, %swap3A_199], %concatenate3A {strides = array<i32>} : memref<1024x144xf32, #tpu.memory_space<vmem>>, vector<1024x144xf32>,
    return
  }
  func.func @transform_0(%arg0: i32) -> (i32, i32) {
    %c0_i32 = arith.constant 0 : i32
    %c0_i32_0 = arith.constant 0 : i32
    return %arg0, %c0_i32 : i32, i32
  }
  func.func @transform_1(%arg0: i32) -> (i32, i32) {
    %c0_i32 = arith.constant 0 : i32
    %c0_i32_0 = arith.constant 0 : i32
    %c0_i32_1 = arith.constant 0 : i32
    return %c0_i32, %c0_i32_0 : i32, i32
  }
  func.func @transform_2(%arg0: i32) -> (i32, i32) {
    %c0_i32 = arith.constant 0 : i32
    %c0_i32_0 = arith.constant 0 : i32
    %c0_i32_1 = arith.constant 0 : i32
    return %c0_i32, %c0_i32_0 : i32, i32
  }
  func.func @transform_3(%arg0: i32) -> (i32, i32) {
    %c0_i32 = arith.constant 0 : i32
    %c0_i32_0 = arith.constant 0 : i32
    %c0_i32_1 = arith.constant 0 : i32
    return %c0_i32, %c0_i32_0 : i32, i32
  }
  func.func @transform_4(%arg0: i32) -> (i32, i32) {
    %c0_i32 = arith.constant 0 : i32
    %c0_i32_0 = arith.constant 0 : i32
    %c0_i32_1 = arith.constant 0 : i32
    return %c0_i32, %c0_i32_0 : i32, i32
  }
  func.func @transform_5(%arg0: i32) -> (i32, i32) {
    %c0_i32 = arith.constant 0 : i32
    %c0_i32_0 = arith.constant 0 : i32
    %c0_i32_1 = arith.constant 0 : i32
    return %c0_i32, %c0_i32_0 : i32, i32
  }
  func.func @transform_6(%arg0: i32) -> (i32, i32) {
    %c0_i32 = arith.constant 0 : i32
    %c0_i32_0 = arith.constant 0 : i32
    %c0_i32_1 = arith.constant 0 : i32
    return %c0_i32, %c0_i32_0 : i32, i32
  }
  func.func @transform_7(%arg0: i32) -> (i32, i32) {
    %c0_i32 = arith.constant 0 : i32
    %c0_i32_0 = arith.constant 0 : i32
    return %arg0, %c0_i32 : i32, i32
  }
}

</mosaic_0001>

<sc_bundles>
// kernel: sparse-core-data-format-call.cloned.1.call-start
scs
called_computation_lowered:
.L_overlay_start_0:
0x0: {  	s2 =	sld [smem:$0x3FD9]  }
0x1: {  	s3 =	sld [smem:$0x3FFE];
	_ =	sdelay $0x1  }
0x2: {  	s1 =	srdreg.scid  }
0x3: {  	s0 =	sand.u32 $0x1, s1  }
0x4: {  	s18 =	sshll.u32 s0, $0xA;
	s2 =	sadd.s32 s3, s2  }
0x5: {  	s2 =	sadd.s32 s2, s18  }
0x6: {  	[smem:$0x3FC2] =	sst s2  }
0x7: {  	_ = 	snop  }
0x8: {  	s2 =	sld [smem:$0x3FD0];
	(tm) =	ssettm $0x1  }
0x9: {  	s19 =	sld [smem:$0x3FFB];
	_ =	sdelay $0x3  }
0xa: {  	_ =	strace s19  }
0xb: {  	s3 =	sld [smem:$0x3FFC];
	_ =	sdelay $0x3  }
0xc: {  	_ =	strace s3  }
0xd: {  	s3 =	sld [smem:$0x3FFD];
	_ =	sdelay $0x3  }
0xe: {  	_ =	strace s3  }
0xf: {  	_ =	strace $0x8FFFFFFF  }
0x10: {  	s20 =	sld [smem:$0x3FDB];
	_ =	sdelay $0x1  }
0x11: {  	s4 =	simm.s32 $_scs_section_size  }
0x12: {  	s5 =	simm.s32 $_size__tile_overlayer_lowered;
	s6 =	simm.s32 $_tile_overlayer_lowered  }
0x13: {  	s23 =	simm.s32 $0x1BFF;
	s22 =	sshll.u32 s6, $0x1;
	s3 =	sadd.s32 s4, s20  }
0x14: {  	s7 =	simm.s32 $0x0;
	s21 =	sshll.u32 s5, $0x1;
	s5 =	sadd.s32 s22, s3  }
0x15: {  	[timem:s7], [sflag:s23] =	dma.local [hbm:s5], s21  }
0x16: {  	_ =	swait.ge [sflag:s23], s21  }
0x17: {  	s4 =	ssub.s32 $0x0, s21;
	[sflag:s23] =	ssyncset.done $0x0  }
0x18: {  	[sflag:s23] =	ssyncadd.s32 s4;
	_ =	sdelay $0x1  }
0x19: {  	s24 =	simm.s32 $0x1B8B  }
0x1a: {  	_ =	swait.ge [sflag:s24], $0x1  }
0x1b: {  	[sflag:s24] =	ssyncset.done $0x0  }
0x1c: {  	s26 =	simm.s32 $0x1B8E;
	s25 =	sld [smem:$0x3FFE];
	[sflag:s24] =	ssyncadd.s32 $0xFFFFFFFF  }
0x1d: {  	s27 =	simm.s32 $execute0_lowered;
	[smem:$0x3FD2] =	sst s26  }
0x1e: {  	s5 =	sshll.u32 s27, $0x1;
	_ =	strace $0x80000046;
	[dreg:$0x1] =	wrdreg $0xFFFFFFFF  }
0x1f: {  	s28 =	simm.s32 $_size_execute0_lowered;
	s3 =	sadd.s32 s3, s5;
	[dreg:$0x0] =	wrdreg $0x0  }
0x20: {  	s5 =	sshll.u32 s28, $0x1;
	[dreg:$0x2] =	wrdreg s3  }
0x21: {  	[dreg:$0x3] =	wrdreg s5  }
0x22: {  	[dreg:$0x4] =	wrdreg $0xC0  }
0x23: {  	_ =	task [dreg:s7], $0x5FFFF  }
0x24: {  	[dreg:$0x1] =	wrdreg $0xFFFFFFFF  }
0x25: {  	[dreg:$0x0] =	wrdreg $0x60  }
0x26: {  	[dreg:$0x2] =	wrdreg s25  }
0x27: {  	[dreg:$0x3] =	wrdreg s2  }
0x28: {  	[dreg:$0x4] =	wrdreg $0x9  }
0x29: {  	_ =	task.clear_ibuf [dreg:s7], $0x5FFFF;
	_ =	strace $0x90000046  }
0x2a: {  	s29 =	simm.s32 $0x9;
	_ =	strace $0x80000048  }
0x2b: {  	_ =	swait.ge [sflag:s29], $0x1  }
0x2c: {  	[sflag:s29] =	ssyncadd.s32 $0xFFFFFFFF  }
0x2d: {  	_ =	strace $0x90000048  }
0x2e: {  	_ =	sfence  }
0x2f: {  	s30 =	sld [smem:$0x0];
	_ =	sdelay $0x2  }
0x30: {  	s31 =	sshll.u32 s1, $0xD;
	s1 =	sshrl.u32 s1, $0x2  }
0x31: {  	s3 =	sand.u32 $0x4000, s31;
	s1 =	sadd.s32 s1, s30  }
0x32: {  	s0 =	sor.u32 s3, s0;
	s1 =	sshll.u32 s1, $0x11  }
0x33: {  	s0 =	sor.u32 s1, s0  }
0x34: {  	s0 =	sadd.s32 $0x8F2B, s0  }
0x35: {  	[sflag:s0] =	ssyncadd.remote.s32 $0x1  }
0x36: {  	_ =	sfence.sel $0xFFFF  }
0x37: {  	[dreg:$0x0] =	wrdreg $0xFFFFFFFF;
	(pc) =	sbr.abs _section_cstart, $3  }
0x38: {  	[dreg:$0x1] =	wrdreg $0xFFFFFFFF  }
0x39: {  	_ =	task.clear_ibuf [dreg:s7], $0x2FFFF;
	_ =	strace $0x9FFFFFFF  }
0x3a: {  	(tm) =	ssettm $0x7FFFFFFF  }
0x3b: {  	_ =	shalt  }
tec
execute0_lowered:
.L_overlay_start_1:
0x0: {  	(tag) =	ssettag $0x1  }
0x1: {  	s3 =	rddreg [dreg:$0x0]  }
0x2: {  	s2 =	rddreg [dreg:$0x1]  }
0x3: {  	s0 =	rddreg [dreg:$0x2];
	_ =	strace $0x80000047;
	s1 =	stileid.u32  }
0x4: {  	s5 =	srdreg.scid;
	s6 =	simm.s32 $0x1;
	s8 =	simm.s32 $0x2  }
0x5: {  	s15 =	simm.s32 $0x0;
	s10 =	simm.s32 $0x284C00;
	s16 =	simm.s32 $0x0  }
.Ltmp0:
0x6: {  	s11 =	simm.s32 $0x0;
	s13 =	simm.s32 $0x0;
	(pc) =	sbr.rel .LBB1_1-.Ltmp0, $4  }
0x7: {  	s14 =	simm.s32 $0x0;
	s3 =	sadd.s32 $0xA18C00, s3;
	s4 =	sshll.u32 s1, $0x7  }
0x8: {  	s5 =	sshll.u32 s5, $0x7;
	[sflag:s6] =	ssyncpa.u1 $0x0;
	s7 =	ssub.s32 $0x50900, s4  }
0x9: {  	s5 =	sand.u32 $0x80, s5;
	[sflag:s8] =	ssyncpa.u1 $0x0;
	s7 =	sshrl.u32 s7, $0xB  }
0xa: {  	s12 =	smov.u32 s4;
	s8 =	sshll.u32 s5, $0x3;
	s9 =	sor.u32 $0x2, s7  }
.LBB1_7:
0xb: {  	s19 =	sshrl.u32 s11, $0x3  }
0xc: {  	s20 =	sshll.u32 s13, $0x3;
	s19 =	smul.u32 $0x284C00, s19  }
0xd: {  	s20 =	sand.u32 $0xFFFFFC00, s20  }
0xe: {  	s19 =	sadd.s32 s20, s19  }
0xf: {  	s20 =	sshrl.u32 s19, $0x7  }
0x10: {  	s20 =	smulhi.u32 $0x32D2A3, s20;
	_ =	sdelay $0x1  }
0x11: {  	p0 =	sgt.s32 s13, $0x50900;
	s23 =	smov.u32 s13;
	s20 =	sshrl.u32 s20, $0x1  }
0x12: {  	s23 =	simm.s32 @!p0 $0x50900;
	s22 =	smul.u32 $0xE39, s20  }
0x13: {  	s21 =	sand.u32 $0x7F, s13;
	p0 =	sgt.s32 s11, $0x10;
	s17 =	sadd.s32 s17, s23  }
0x14: {  	s23 =	sadd.s32 $0xFFFAF700, s17;
	s17 =	ssub.s32 $0x50980, s17;
	s28 =	sshrl.u32 s22, $0x13  }
0x15: {  	s19 =	sor.u32 s21, s19;
	s22 =	smov.u32 s11;
	s21 =	smul.u32 $0x90, s28  }
0x16: {  	s29 =	smul.u32 $0x50980, s20;
	s22 =	simm.s32 @!p0 $0x10;
	p0 =	sgt.s32 s23, $0x7F  }
0x17: {  	s30 =	ssub.s32 $0x90, s22;
	s17 =	simm.s32 @p0 $0x0;
	s20 =	ssub.s32 s20, s21  }
0x18: {  	s19 =	ssub.s32 s19, s29;
	s17 =	smul.u32 s30, s17;
	s20 =	sand.u32 $0xFFFF, s20  }
0x19: {  	s31 =	sshrl.u32 s19, $0x3;
	s19 =	sand.u32 $0x7, s19;
	s20 =	smul.u32 $0xA130, s20  }
0x1a: {  	s18 =	sor.u32 $0x8000, s18;
	s19 =	sshll.u32 s19, $0x12;
	s21 =	sadd.s32 s2, s31  }
0x1b: {  	s19 =	sor.u32 $0x400, s19;
	s17 =	sand.u32 $0x3FFFFFF0, s17;
	s20 =	sadd.s32 s20, s21  }
0x1c: {  	[hbm4b:s20+s19] =	stream.strided.scatter [tilespmem:s18], [sflag:$0x2], s17, s10, s19, $0x20;
	[tilespmem:$0x10100] =	vst v63  }
.LBB1_8:
0x1d: {  	p0 =	slt.u32 s14, $0x2  }
0x1e: {  	p1 =	sgt.s32 @!p0 s16, $0x50900  }
0x1f: {  	s17 =	smov.u32 s16;
	s18 =	sshra.s32 @!p0 s16, $0x1F;
	p1 =	por !p1, p0  }
0x20: {  	s16 =	sand.u32 @!p0 s18, s16;
	s17 =	simm.s32 @p1 $0x50900  }
0x21: {  	s16 =	ssub.s32 @!p0 s17, s16  }
0x22: {  	p1 =	sgt.s32 @!p0 s15, $0x10;
	s17 =	sadd.s32 @!p0 $0xFFFAF700, s16  }
0x23: {  	s18 =	sadd.s32 $0x800, s12;
	p1 =	por !p1, p0;
	p2 =	sgt.s32 @!p0 s17, $0x7F  }
0x24: {  	s15 =	simm.s32 @p1 $0x10;
	s16 =	ssub.s32 @!p0 $0x50980, s16;
	p1 =	por !p2, p0  }
0x25: {  	s15 =	ssub.s32 @!p0 $0x90, s15;
	s16 =	simm.s32 @!p1 $0x0;
	p1 =	sgt.s32 s18, $0x5090F  }
0x26: {  	s15 =	smul.u32 @!p0 s15, s16;
	s18 =	smov.u32 @p1 s4;
	p1 =	sne.s32 s14, s9  }
.Ltmp1:
0x27: {  	s20 =	sadd.s32 $0x1, s14;
	(pc) =	sbr.rel @!p1 .LBB1_9-.Ltmp1, $4  }
0x28: {  	s17 =	simm.s32 @!p0 $0x2;
	s16 =	smov.u32 s13;
	s15 =	sand.u32 @!p0 $0x3FFFFFFF, s15  }
0x29: {  	s13 =	smov.u32 s12;
	s14 =	smov.u32 s20;
	_ =	swait.ge @!p0 [sflag:s17], s15  }
0x2a: {  	s12 =	smov.u32 s18;
	s19 =	ssub.s32 @!p0 $0x0, s15;
	[sflag:s17] =	ssyncset.done @!p0 $0x0  }
0x2b: {  	s15 =	smov.u32 s11;
	s11 =	smov.u32 s5;
	[sflag:s17] =	ssyncadd.s32 @!p0 s19  }
.LBB1_1:
0x2c: {  	p0 =	sgt.u32 s14, s7  }
0x2d: {  	s17 =	sshll.u32 @!p0 s12, $0x8  }
0x2e: {  	s18 =	sshll.u32 @!p0 s12, $0x7;
	s17 =	sand.u32 @!p0 $0xFFFFF800, s17  }
0x2f: {  	s18 =	sand.u32 @!p0 $0x300, s18;
	s17 =	sor.u32 @!p0 s8, s17  }
0x30: {  	s17 =	sor.u32 @!p0 s18, s17  }
0x31: {  	s19 =	smov.u32 s12;
	p1 =	sgt.s32 @!p0 s12, $0x50890;
	s17 =	sshrl.u32 @!p0 s17, $0x8  }
0x32: {  	s20 =	sshra.s32 @!p0 s12, $0x1F;
	p1 =	por !p1, p0;
	s18 =	smulhi.u32 @!p0 $0x65AE1B, s17  }
0x33: {  	s20 =	sand.u32 @!p0 s20, s12;
	s19 =	simm.s32 @p1 $0x50890  }
0x34: {  	s21 =	sxor.u32 @!p0 $0xFFFFFFFF, s14;
	s19 =	ssub.s32 @!p0 s19, s20;
	s18 =	sshrl.u32 @!p0 s18, $0x9  }
0x35: {  	s20 =	sshll.u32 @!p0 s21, $0xE;
	s19 =	sadd.s32 @!p0 $0xFFFAF770, s19;
	s18 =	smul.u32 @!p0 $0x50910, s18  }
0x36: {  	s21 =	simm.s32 @!p0 $0x800;
	s20 =	sand.u32 @!p0 $0x4000, s20;
	p1 =	sgt.s32 @!p0 s19, $0x7F  }
0x37: {  	s17 =	ssub.s32 @!p0 s17, s18;
	s18 =	sshll.u32 @!p0 s19, $0x7;
	s19 =	sshll.u32 @!p0 s12, $0x4  }
0x38: {  	p1 =	por !p1, p0;
	s18 =	ssub.s32 @!p0 $0x4000, s18;
	s19 =	sand.u32 @!p0 $0x10, s19  }
0x39: {  	s17 =	sshll.u32 @!p0 s17, $0x5;
	s18 =	sand.u32 @!p0 $0x3FFFFF80, s18;
	s19 =	sadd.s32 @!p0 s3, s19  }
0x3a: {  	s18 =	simm.s32 @!p1 $0x0;
	s17 =	sadd.s32 @!p0 s17, s19;
	s19 =	simm.s32 @!p0 $0x400  }
0x3b: {  	[tilespmem:s20], [sflag:$0x1] =	stream.strided.gather @!p0 [hbm4b:s17+s19], s18, s21, s19, $0x38;
	[tilespmem:$0x10100] =	vst v63  }
0x3c: {  	p0 =	seq.s32 s14, $0x0  }
0x3d: {  	p1 =	sge.u32 @!p0 s14, s9  }
0x3e: {  	p0 =	por p0, p1  }
.Ltmp2:
0x3f: {  	_ = 	snop;
	(pc) =	sbr.rel @p0 .LBB1_8-.Ltmp2, $1  }
0x40: {  	_ =	sdelay $0x3  }
0x41: {  	s17 =	ssub.s32 $0x0, s13  }
0x42: {  	s18 =	sshra.s32 s13, $0x1F;
	p0 =	sgt.s32 s13, $0x50890;
	s19 =	smov.u32 s13  }
0x43: {  	s17 =	sand.u32 s17, s18;
	s19 =	simm.s32 @!p0 $0x50890  }
0x44: {  	s18 =	sadd.s32 s17, s19;
	s19 =	sadd.s32 $0x80, s13  }
0x45: {  	s21 =	smov.u32 s11;
	p0 =	slt.s32 s19, $0x50910  }
0x46: {  	s18 =	sadd.s32 $0xFFFAF770, s18;
	s19 =	simm.s32 @!p0 $0x50910;
	p0 =	slt.s32 s11, $0x10  }
0x47: {  	s20 =	sshll.u32 s18, $0x7;
	p1 =	sgt.s32 s18, $0x7F;
	s21 =	simm.s32 @!p0 $0x10  }
0x48: {  	s30 =	ssub.s32 $0x4000, s20;
	s19 =	ssub.s32 s19, s13;
	s31 =	ssub.s32 s21, s11  }
0x49: {  	s18 =	sand.u32 $0x3FFFFF80, s30;
	p0 =	slt.s32 s19, $0x1;
	s20 =	sadd.s32 $0x80, s31  }
0x4a: {  	s18 =	simm.s32 @p1 $0x0;
	p1 =	seq.s32 @!p0 s20, $0x0  }
0x4b: {  	p1 =	por p0, p1  }
.Ltmp3:
0x4c: {  	_ = 	snop;
	(pc) =	sbr.rel @p1 .LBB1_7-.Ltmp3, $4  }
0x4d: {  	_ = 	snop  }
0x4e: {  	_ =	swait.ge [sflag:s6], s18  }
0x4f: {  	s21 =	sand.u32 $0x1, s14;
	s18 =	ssub.s32 $0x0, s18;
	[sflag:s6] =	ssyncset.done $0x0  }
0x50: {  	[sflag:s6] =	ssyncadd.s32 s18;
	s18 =	smul.u32 $0x4080, s21  }
0x51: {  	_ = 	snop  }
0x52: {  	s21 =	sshll.u32 @!p0 s21, $0xE;
	s23 =	simm.s32 $0x0;
	s22 =	sor.u32 @!p0 $0x8000, s18  }
.LBB1_4:
0x53: {  	s24 =	sshll.u32 s23, $0x7;
	s25 =	sshrl.u32 s23, $0x4  }
0x54: {  	s27 =	sand.u32 $0x7F, s23;
	s28 =	simm.s32 $0x0;
	s26 =	sand.u32 $0x380, s24  }
0x55: {  	s29 =	simm.s32 $0x0;
	s27 =	sadd.s32 s27, s22;
	s26 =	sadd.s32 s26, s21  }
.LBB1_5:
0x56: {  	s30 =	sand.u32 $0x3C00, s28  }
0x57: {  	s30 =	sadd.s32 s24, s30  }
0x58: {  	s30 =	sand.u32 $0x3C00, s30  }
0x59: {  	s31 =	sand.u32 $0x70, s29;
	s30 =	sadd.s32 s30, s26  }
0x5a: {  	s30 =	sadd.s32 s31, s30;
	s31 =	sadd.s32 s29, s25  }
0x5b: {  	s29 =	sadd.s32 $0x10, s29;
	s31 =	sand.u32 $0x78, s31  }
0x5c: {  	v0 =	vld [tilespmem:s30+$0x0];
	p0 =	slt.u32 s29, s20;
	s30 =	smul.u32 $0x204, s31  }
.Ltmp4:
0x5d: {  	_ = 	snop;
	(pc) =	sbr.rel @p0 .LBB1_5-.Ltmp4, $4  }
0x5e: {  	_ = 	snop  }
0x5f: {  	s30 =	sshrl.u32 s30, $0x2  }
0x60: {  	s30 =	sadd.s32 s30, s27  }
0x61: {  	s28 =	sadd.s32 $0x80, s28;
	[tilespmem:s30+$0x0 ss:$0x81] =	vst.msk $0xffff, v0  }
0x62: {  	s23 =	sadd.s32 $0x1, s23  }
0x63: {  	p0 =	sne.s32 s23, s19  }
.Ltmp5:
0x64: {  	_ = 	snop;
	(pc) =	sbr.rel @p0 .LBB1_4-.Ltmp5, $4  }
.Ltmp6:
0x65: {  	_ = 	snop;
	(pc) =	sbr.rel @!p0 .LBB1_7-.Ltmp6, $4  }
0x66: {  	_ = 	snop  }
0x67: {  	_ = 	snop  }
0x68: {  	_ = 	snop  }
0x69: {  	_ = 	snop  }
.LBB1_9:
0x6a: {  	_ =	sfence.sel $0x180000  }
0x6b: {  	s2 =	simm.s32 $0x1;
	[bflag:$0x0] =	sbarrier.arrive $0xFFFF  }
0x6c: {  	s31 =	simm.s32 $0x2;
	[sflag:s2] =	ssyncpa.u1 $0x1  }
0x6d: {  	[sflag:s31] =	ssyncpa.u1 $0x1  }
0x6e: {  	p0 =	sne.s32 s1, $0x0;
	_ =	strace $0x90000047  }
0x6f: {  	s0 =	sadd.s32 @!p0 $0x100000, s0;
	[bflag:$0x2] =	sbarrier.arrive $0xFFFF  }
0x70: {  	[sflag:s0] =	ssyncadd.tile.s32 @!p0 $0x1;
	_ =	shalt  }
.Lfunc_end1:
_tile_overlayer_lowered:
.L_overlay_start_2:
0x71: {  	(tag) =	ssettag $0x2  }
0x72: {  	s0 =	rddreg [dreg:$0x0];
	s2 =	stileid.u32  }
0x73: {  	s1 =	rddreg [dreg:$0x1];
	p0 =	sne.s32 s2, $0x0  }
0x74: {  	s3 =	rddreg [dreg:$0x2];
	[bflag:$0x3] =	sbarrier.arrive $0xFFFF;
	s2 =	simm.s32 @!p0 $0x1C01  }
0x75: {  	[timem:s3], [sflag:s2] =	dma.local @!p0 [hbm:s0], s1  }
0x76: {  	s0 =	simm.s32 @!p0 $0x1  }
0x77: {  	_ =	swait.ge @!p0 [sflag:s0], s1  }
0x78: {  	s1 =	ssub.s32 @!p0 $0x0, s1;
	[sflag:s0] =	ssyncset.done @!p0 $0x0  }
0x79: {  	[sflag:s0] =	ssyncadd.s32 @!p0 s1  }
0x7a: {  	[bflag:$0x3] =	sbarrier.arrive $0xFFFF  }
0x7b: {  	_ =	shalt  }

</sc_bundles>
